<compile_context>
chip_gen: v7x
topology: tpu7x:2x2x1
jax: 0.10.2.dev20260603
libtpu: 0.0.44.dev20260713+nightly
codegen_flags: <defaults>
</compile_context>

<pallas_src>
import functools

import jax
import jax.numpy as jnp
from jax import lax
from jax.experimental import pallas as pl
from jax.experimental.pallas import tpu as pltpu
from jax.experimental.pallas import tpu_sc as plsc

Qn = 1024
DIN = 256
DM = 64
Kn = 100000
BK = 4096
NB = (Kn + BK - 1) // BK
CMASK = BK - 1
BLUR_SQ = 0.81


def _tc_body(x_ref, w_ref, b_ref, cols_ref, keys_ref, idx_ref, sqv_ref,
             faug_ref, qsq_ref, bm_ref, bj_ref):
    j = pl.program_id(0)

    @pl.when(j == 0)
    def _init():
        f = jax.nn.gelu(
            jnp.dot(x_ref[...], w_ref[...], preferred_element_type=jnp.float32)
            + b_ref[...])
        faug_ref[:, :DM] = f * (-2.0)
        faug_ref[:, DM:] = jnp.ones((Qn, 1), jnp.float32)
        qsq_ref[...] = jnp.sum(f * f, axis=1, keepdims=True)

    kb = keys_ref[...]
    lim = Kn - j * BK
    valid2 = lax.broadcasted_iota(jnp.int32, (DM, BK), 1) < lim
    kb = jnp.where(valid2, kb, 0.0)
    valid1 = lax.broadcasted_iota(jnp.int32, (1, BK), 1) < lim
    ksq_row = jnp.where(valid1,
                        jnp.sum(kb * kb, axis=0, keepdims=True),
                        jnp.float32(1e9))
    k_aug = jnp.concatenate([kb, ksq_row], axis=0)
    m = lax.dot_general(faug_ref[...], k_aug, (((1,), (0,)), ((), ())),
                        preferred_element_type=jnp.float32)

    z = lax.bitcast_convert_type(
        (lax.bitcast_convert_type(m, jnp.int32) & ~CMASK) | cols_ref[...],
        jnp.float32)
    zmin = jnp.min(z, axis=1, keepdims=True)
    bm_old = jnp.where(j == 0, jnp.float32(jnp.inf), bm_ref[...])
    bj_old = jnp.where(j == 0, jnp.float32(0.0), bj_ref[...])
    upd = zmin < bm_old
    bm_ref[...] = jnp.where(upd, zmin, bm_old)
    bj_ref[...] = jnp.where(upd, jnp.float32(j), bj_old)

    @pl.when(j == NB - 1)
    def _fin():
        zi = lax.bitcast_convert_type(bm_ref[...], jnp.int32)
        col = (zi & CMASK).astype(jnp.float32)
        idx_ref[...] = (bj_ref[...] * jnp.float32(BK) + col).astype(jnp.int32)
        sqv_ref[...] = (qsq_ref[...]
                        + lax.bitcast_convert_type(zi & ~CMASK, jnp.float32))


def _tc_search(x, W, b2, cols, keysT):
    return pl.pallas_call(
        _tc_body,
        grid=(NB,),
        in_specs=[
            pl.BlockSpec((Qn, DIN), lambda j: (0, 0)),
            pl.BlockSpec((DIN, DM), lambda j: (0, 0)),
            pl.BlockSpec((1, DM), lambda j: (0, 0)),
            pl.BlockSpec((1, BK), lambda j: (0, 0)),
            pl.BlockSpec((DM, BK), lambda j: (0, j)),
        ],
        out_specs=[
            pl.BlockSpec((Qn, 1), lambda j: (0, 0)),
            pl.BlockSpec((Qn, 1), lambda j: (0, 0)),
        ],
        out_shape=[
            jax.ShapeDtypeStruct((Qn, 1), jnp.int32),
            jax.ShapeDtypeStruct((Qn, 1), jnp.float32),
        ],
        scratch_shapes=[
            pltpu.VMEM((Qn, DM + 1), jnp.float32),
            pltpu.VMEM((Qn, 1), jnp.float32),
            pltpu.VMEM((Qn, 1), jnp.float32),
            pltpu.VMEM((Qn, 1), jnp.float32),
        ],
        compiler_params=pltpu.CompilerParams(
            dimension_semantics=("arbitrary",)),
    )(x, W, b2, cols, keysT)


def _sc_finish(values, idx, sqv):
    info = plsc.get_sparse_core_info()
    nw = info.num_cores * info.num_subcores
    bpw = Qn // nw
    mesh = plsc.VectorSubcoreMesh(core_axis_name="c", subcore_axis_name="s")

    @functools.partial(
        pl.kernel, mesh=mesh,
        out_type=jax.ShapeDtypeStruct((Qn,), jnp.float32),
        scratch_types=[
            pltpu.VMEM((bpw,), jnp.int32),
            pltpu.VMEM((bpw,), jnp.float32),
            pltpu.VMEM((bpw,), jnp.float32),
            pltpu.VMEM((bpw,), jnp.float32),
            pltpu.SemaphoreType.DMA,
            pltpu.SemaphoreType.DMA,
        ],
    )
    def k(values_hbm, idx_hbm, sqv_hbm, out_hbm,
          idx_v, sqv_v, vals_v, out_v, sem, sem2):
        wid = lax.axis_index("s") * info.num_cores + lax.axis_index("c")
        base = wid * bpw
        c1 = pltpu.async_copy(idx_hbm.at[pl.ds(base, bpw)], idx_v, sem)
        c2 = pltpu.async_copy(sqv_hbm.at[pl.ds(base, bpw)], sqv_v, sem2)
        c1.wait()
        pltpu.async_copy(values_hbm.at[idx_v], vals_v, sem).wait()
        c2.wait()
        for t in range(bpw // 16):
            sl = pl.ds(t * 16, 16)
            out_v[sl] = jnp.where(sqv_v[sl] <= BLUR_SQ, vals_v[sl],
                                  jnp.zeros((16,), jnp.float32))
        pltpu.sync_copy(out_v, out_hbm.at[pl.ds(base, bpw)])

    return k(values, idx, sqv)


def kernel(x, keys, values, W, b):
    cols = lax.broadcasted_iota(jnp.int32, (1, BK), 1)
    idx, sqv = _tc_search(x, W, b.reshape(1, DM), cols, keys.T)
    return _sc_finish(values, idx[:, 0], sqv[:, 0])

# --- scband reference (transcript-rebuilt; emitter-appended) ---
"""Pipeline reference for scband-feature-encoder-64836826301147 (READ-ONLY COPY).

The authoritative reference and input builder live on the scoring server;
editing this copy changes nothing except your own understanding.
"""

import jax, jax.numpy as jnp
import numpy as np

Q = 1024
D_IN = 256
D_MODEL = 64
K = 100000
RESULT_BLUR = 0.9


def setup_inputs(seed: int = 0) -> dict:
    key = jax.random.key(seed)
    k1, k2, k3, k4 = jax.random.split(key, 4)
    x = jax.random.normal(k1, (Q, D_IN), dtype=jnp.float32)
    keys = jax.random.normal(k2, (K, D_MODEL), dtype=jnp.float32)
    values = jax.random.normal(k3, (K,), dtype=jnp.float32)
    # learned params of the nnx.Linear(in_features=D_IN, out_features=d_model)
    W = jax.random.normal(k4, (D_IN, D_MODEL), dtype=jnp.float32) * (1.0 / np.sqrt(D_IN))
    b = jnp.zeros((D_MODEL,), dtype=jnp.float32)
    return {"x": x, "keys": keys, "values": values, "W": W, "b": b}


def reference(x, keys, values, W, b):
    # gen_in_feature_single_variation: gelu(linear(flatten_param)) per query row
    feats = jax.nn.gelu(jnp.dot(x, W) + b)  # (Q, D_MODEL)
    # fill_blur_vals vmapped over query feature rows:
    # losses = || stored_embeddings - feature_row ||_2 ; idx = argmin; retrieve out_store[idx]
    # computed via expanded squared-distance to avoid a (Q, K, D) intermediate
    q_sq = jnp.sum(feats * feats, axis=-1, keepdims=True)  # (Q, 1)
    k_sq = jnp.sum(keys * keys, axis=-1)[None, :]          # (1, K)
    sq = q_sq + k_sq - 2.0 * jnp.dot(feats, keys.T)        # (Q, K)
    losses = jnp.sqrt(jnp.maximum(sq, 1e-12))
    idx = jnp.argmin(losses, axis=-1)                      # (Q,)
    min_loss = jnp.take_along_axis(losses, idx[:, None], axis=1)[:, 0]
    retrieved = jnp.take(values, idx)                      # jnp.take(self.out_store, idx)
    # blur threshold: return stored value if min_loss <= result_blur else None (-> 0.0)
    out = jnp.where(min_loss <= RESULT_BLUR, retrieved, jnp.zeros_like(retrieved))
    return out

if __name__ == "__main__":
    import jax
    _d = setup_inputs()
    print(jax.jit(kernel)(*tuple(_d.values())))

</pallas_src>

<mosaic_0001>
#map = affine_map<(d0, d1) -> (0)>
module attributes {stable_mosaic.version = 14 : i64} {
  func.func @k(%arg0: i32, %arg1: i32, %arg2: memref<100000xf32, #tpu.memory_space<hbm>>, %arg3: memref<1024xi32, #tpu.memory_space<hbm>>, %arg4: memref<1024xf32, #tpu.memory_space<hbm>>, %arg5: memref<1024xf32, #tpu.memory_space<hbm>>, %arg6: memref<32xi32, #tpu.memory_space<vmem>>, %arg7: memref<32xf32, #tpu.memory_space<vmem>>, %arg8: memref<32xf32, #tpu.memory_space<vmem>>, %arg9: memref<32xf32, #tpu.memory_space<vmem>>, %arg10: memref<!tpu.dma_semaphore, #tpu.memory_space<semaphore_mem>>, %arg11: memref<!tpu.dma_semaphore, #tpu.memory_space<semaphore_mem>>) attributes {dimension_semantics = [#tpu.dimension_semantics<core_parallel>, #tpu.dimension_semantics<subcore_parallel>], iteration_bounds = array<i64: 2, 16>, scalar_prefetch = 0 : i64, scratch_operands = 6 : i64, tpu.core_type = #tpu.core_type<sc_vector_subcore>, window_params = [{transform_indices = #map}, {transform_indices = #map}, {transform_indices = #map}, {transform_indices = #map}]} {
    %mul3A = arith.constant 2 : i32
    %mul3A_0 = arith.muli %arg1, %mul3A : i32
    %add3A = arith.addi %mul3A_0, %arg0 : i32
    %mul3A_1 = arith.constant 32 : i32
    %mul3A_2 = arith.muli %add3A, %mul3A_1 : i32
    %dma_start3A = tpu.memref_slice %arg3[%mul3A_2] : memref<1024xi32, #tpu.memory_space<hbm>> -> memref<32xi32, #tpu.memory_space<hbm>>
    %dma_start3A_3 = tpu.memref_slice %arg3[%mul3A_2] : memref<1024xi32, #tpu.memory_space<hbm>> -> memref<32xi32, #tpu.memory_space<hbm>>
    tpu.enqueue_dma source(%dma_start3A_3 : memref<32xi32, #tpu.memory_space<hbm>>) target(%arg6 : memref<32xi32, #tpu.memory_space<vmem>>) target_semaphore(%arg10 : memref<!tpu.dma_semaphore, #tpu.memory_space<semaphore_mem>>)
    %dma_start3A_4 = tpu.memref_slice %arg4[%mul3A_2] : memref<1024xf32, #tpu.memory_space<hbm>> -> memref<32xf32, #tpu.memory_space<hbm>>
    %dma_start3A_5 = tpu.memref_slice %arg4[%mul3A_2] : memref<1024xf32, #tpu.memory_space<hbm>> -> memref<32xf32, #tpu.memory_space<hbm>>
    tpu.enqueue_dma source(%dma_start3A_5 : memref<32xf32, #tpu.memory_space<hbm>>) target(%arg7 : memref<32xf32, #tpu.memory_space<vmem>>) target_semaphore(%arg11 : memref<!tpu.dma_semaphore, #tpu.memory_space<semaphore_mem>>)
    %dma_wait3A = tpu.memref_slice %arg3[%mul3A_2] : memref<1024xi32, #tpu.memory_space<hbm>> -> memref<32xi32, #tpu.memory_space<hbm>>
    %dma_wait3A_6 = tpu.memref_slice %arg3[%mul3A_2] : memref<1024xi32, #tpu.memory_space<hbm>> -> memref<32xi32, #tpu.memory_space<hbm>>
    tpu.wait_dma2 semaphore(%arg10 : memref<!tpu.dma_semaphore, #tpu.memory_space<semaphore_mem>>) src(%dma_wait3A_6 : memref<32xi32, #tpu.memory_space<hbm>>) dst(%arg6 : memref<32xi32, #tpu.memory_space<vmem>>)
    %dma_start3A_7 = arith.constant 0 : i32
    %dma_start3A_8 = tpu.memref_slice %arg2[%dma_start3A_7] : memref<100000xf32, #tpu.memory_space<hbm>> -> memref<100000xf32, #tpu.memory_space<hbm>>
    tpu.enqueue_indirect_dma source(%dma_start3A_8 : memref<100000xf32, #tpu.memory_space<hbm>>) target(%arg8 : memref<32xf32, #tpu.memory_space<vmem>>) offsets(%arg6 : memref<32xi32, #tpu.memory_space<vmem>>) semaphore(%arg10 : memref<!tpu.dma_semaphore, #tpu.memory_space<semaphore_mem>>)
    %dma_wait3A_9 = arith.constant 0 : i32
    %dma_wait3A_10 = tpu.memref_slice %arg2[%dma_wait3A_9] : memref<100000xf32, #tpu.memory_space<hbm>> -> memref<100000xf32, #tpu.memory_space<hbm>>
    tpu.wait_indirect_dma semaphore(%arg10 : memref<!tpu.dma_semaphore, #tpu.memory_space<semaphore_mem>>) src(%dma_wait3A_10 : memref<100000xf32, #tpu.memory_space<hbm>>) dst(%arg8 : memref<32xf32, #tpu.memory_space<vmem>>)
    %dma_wait3A_11 = tpu.memref_slice %arg4[%mul3A_2] : memref<1024xf32, #tpu.memory_space<hbm>> -> memref<32xf32, #tpu.memory_space<hbm>>
    %dma_wait3A_12 = tpu.memref_slice %arg4[%mul3A_2] : memref<1024xf32, #tpu.memory_space<hbm>> -> memref<32xf32, #tpu.memory_space<hbm>>
    tpu.wait_dma2 semaphore(%arg11 : memref<!tpu.dma_semaphore, #tpu.memory_space<semaphore_mem>>) src(%dma_wait3A_12 : memref<32xf32, #tpu.memory_space<hbm>>) dst(%arg7 : memref<32xf32, #tpu.memory_space<vmem>>)
    %get3A = arith.constant 0 : index
    %get3A_13 = tpu.vector_load %arg7[%get3A] {strides = array<i32>} : memref<32xf32, #tpu.memory_space<vmem>>, vector<16xf32>,
    %get3A_14 = vector.shape_cast %get3A_13 : vector<16xf32> to vector<16xf32>
    %le3A = arith.constant 8.100000e-01 : f32
    %le3A_15 = vector.broadcast %le3A : f32 to vector<16xf32>
    %le3A_16 = arith.cmpf ole, %get3A_14, %le3A_15 : vector<16xf32>
    %get3A_17 = arith.constant 0 : index
    %get3A_18 = tpu.vector_load %arg8[%get3A_17] {strides = array<i32>} : memref<32xf32, #tpu.memory_space<vmem>>, vector<16xf32>,
    %get3A_19 = vector.shape_cast %get3A_18 : vector<16xf32> to vector<16xf32>
    %broadcast_in_dim3A = arith.constant 0.000000e+00 : f32
    %broadcast_in_dim3A_20 = vector.broadcast %broadcast_in_dim3A : f32 to vector<16xf32>
    %select_n3A = arith.select %le3A_16, %get3A_19, %broadcast_in_dim3A_20 : vector<16xi1>, vector<16xf32>
    %swap3A = arith.constant 0 : index
    %swap3A_21 = tpu.vector_load %arg9[%swap3A] {strides = array<i32>} : memref<32xf32, #tpu.memory_space<vmem>>, vector<16xf32>,
    %swap3A_22 = vector.shape_cast %swap3A_21 : vector<16xf32> to vector<16xf32>
    %swap3A_23 = vector.shape_cast %select_n3A : vector<16xf32> to vector<16xf32>
    tpu.vector_store %arg9[%swap3A], %swap3A_23 {strides = array<i32>} : memref<32xf32, #tpu.memory_space<vmem>>, vector<16xf32>,
    %get3A_24 = arith.constant 16 : index
    %get3A_25 = tpu.vector_load %arg7[%get3A_24] {strides = array<i32>} : memref<32xf32, #tpu.memory_space<vmem>>, vector<16xf32>,
    %get3A_26 = vector.shape_cast %get3A_25 : vector<16xf32> to vector<16xf32>
    %le3A_27 = arith.constant 8.100000e-01 : f32
    %le3A_28 = vector.broadcast %le3A_27 : f32 to vector<16xf32>
    %le3A_29 = arith.cmpf ole, %get3A_26, %le3A_28 : vector<16xf32>
    %get3A_30 = arith.constant 16 : index
    %get3A_31 = tpu.vector_load %arg8[%get3A_30] {strides = array<i32>} : memref<32xf32, #tpu.memory_space<vmem>>, vector<16xf32>,
    %get3A_32 = vector.shape_cast %get3A_31 : vector<16xf32> to vector<16xf32>
    %broadcast_in_dim3A_33 = arith.constant 0.000000e+00 : f32
    %broadcast_in_dim3A_34 = vector.broadcast %broadcast_in_dim3A_33 : f32 to vector<16xf32>
    %select_n3A_35 = arith.select %le3A_29, %get3A_32, %broadcast_in_dim3A_34 : vector<16xi1>, vector<16xf32>
    %swap3A_36 = arith.constant 16 : index
    %swap3A_37 = tpu.vector_load %arg9[%swap3A_36] {strides = array<i32>} : memref<32xf32, #tpu.memory_space<vmem>>, vector<16xf32>,
    %swap3A_38 = vector.shape_cast %swap3A_37 : vector<16xf32> to vector<16xf32>
    %swap3A_39 = vector.shape_cast %select_n3A_35 : vector<16xf32> to vector<16xf32>
    tpu.vector_store %arg9[%swap3A_36], %swap3A_39 {strides = array<i32>} : memref<32xf32, #tpu.memory_space<vmem>>, vector<16xf32>,
    "tpu.region"() ({
      %run_scoped3A = tpu.sem_alloc : memref<!tpu.dma_semaphore, #tpu.memory_space<semaphore_mem>>
      %dma_start3A_40 = tpu.memref_slice %arg5[%mul3A_2] : memref<1024xf32, #tpu.memory_space<hbm>> -> memref<32xf32, #tpu.memory_space<hbm>>
      %dma_start3A_41 = tpu.memref_slice %arg5[%mul3A_2] : memref<1024xf32, #tpu.memory_space<hbm>> -> memref<32xf32, #tpu.memory_space<hbm>>
      tpu.enqueue_dma source(%arg9 : memref<32xf32, #tpu.memory_space<vmem>>) target(%dma_start3A_41 : memref<32xf32, #tpu.memory_space<hbm>>) target_semaphore(%run_scoped3A : memref<!tpu.dma_semaphore, #tpu.memory_space<semaphore_mem>>)
      %dma_wait3A_42 = tpu.memref_slice %arg5[%mul3A_2] : memref<1024xf32, #tpu.memory_space<hbm>> -> memref<32xf32, #tpu.memory_space<hbm>>
      %dma_wait3A_43 = tpu.memref_slice %arg5[%mul3A_2] : memref<1024xf32, #tpu.memory_space<hbm>> -> memref<32xf32, #tpu.memory_space<hbm>>
      tpu.wait_dma2 semaphore(%run_scoped3A : memref<!tpu.dma_semaphore, #tpu.memory_space<semaphore_mem>>) src(%arg9 : memref<32xf32, #tpu.memory_space<vmem>>) dst(%dma_wait3A_43 : memref<32xf32, #tpu.memory_space<hbm>>)
      tpu.yield
    }) : () -> ()
    return
  }
}

module attributes {stable_mosaic.version = 14 : i64} {
  func.func @_tc_body(%arg0: i32, %arg1: memref<1024x256xf32, #tpu.memory_space<vmem>>, %arg2: memref<256x64xf32, #tpu.memory_space<vmem>>, %arg3: memref<1x64xf32, #tpu.memory_space<vmem>>, %arg4: memref<1x4096xi32, #tpu.memory_space<vmem>>, %arg5: memref<64x4096xf32, #tpu.memory_space<vmem>>, %arg6: memref<1024x1xi32, #tpu.memory_space<vmem>>, %arg7: memref<1024x1xf32, #tpu.memory_space<vmem>>, %arg8: memref<1024x65xf32, #tpu.memory_space<vmem>>, %arg9: memref<1024x1xf32, #tpu.memory_space<vmem>>, %arg10: memref<1024x1xf32, #tpu.memory_space<vmem>>, %arg11: memref<1024x1xf32, #tpu.memory_space<vmem>>) attributes {dimension_semantics = [#tpu.dimension_semantics<arbitrary>], iteration_bounds = array<i64: 25>, scalar_prefetch = 0 : i64, scratch_operands = 4 : i64, tpu.core_type = #tpu.core_type<tc>, window_params = [{pipeline_mode = #tpu.pipeline_mode<synchronous>, transform_indices = @transform_0, window_bounds = array<i64: 1024, 256>}, {pipeline_mode = #tpu.pipeline_mode<synchronous>, transform_indices = @transform_1, window_bounds = array<i64: 256, 64>}, {pipeline_mode = #tpu.pipeline_mode<synchronous>, transform_indices = @transform_2, window_bounds = array<i64: 1, 64>}, {pipeline_mode = #tpu.pipeline_mode<synchronous>, transform_indices = @transform_3, window_bounds = array<i64: 1, 4096>}, {transform_indices = @transform_4, window_bounds = array<i64: 64, 4096>}, {pipeline_mode = #tpu.pipeline_mode<synchronous>, transform_indices = @transform_5, window_bounds = array<i64: 1024, 1>}, {pipeline_mode = #tpu.pipeline_mode<synchronous>, transform_indices = @transform_6, window_bounds = array<i64: 1024, 1>}]} {
    %eq3A = arith.constant 0 : i32
    %eq3A_0 = arith.cmpi eq, %arg0, %eq3A : i32
    %convert_element_type3A = arith.extui %eq3A_0 : i1 to i32
    %cond3A = arith.constant 0 : i32
    %cond3A_1 = arith.cmpi ne, %convert_element_type3A, %cond3A : i32
    scf.if %cond3A_1 {
      %get3A_60 = arith.constant 0 : index
      %get3A_61 = arith.constant 0 : index
      %get3A_62 = vector.load %arg1[%get3A_60, %get3A_61] : memref<1024x256xf32, #tpu.memory_space<vmem>>, vector<1024x256xf32>
      %get3A_63 = arith.constant 0 : index
      %get3A_64 = arith.constant 0 : index
      %get3A_65 = vector.load %arg2[%get3A_63, %get3A_64] : memref<256x64xf32, #tpu.memory_space<vmem>>, vector<256x64xf32>
      %dot_general3A_66 = arith.constant dense<0.000000e+00> : vector<1024x64xf32>
      %dot_general3A_67 = tpu.matmul %get3A_62, %get3A_65, %dot_general3A_66 {dimension_numbers = #tpu.dot_dimension_numbers<[1], [0], [0], [1], [0, 0, 1, 1], [], []>, transpose_lhs_hint = false} : vector<1024x256xf32>, vector<256x64xf32>, vector<1024x64xf32> -> vector<1024x64xf32>
      %get3A_68 = arith.constant 0 : index
      %get3A_69 = arith.constant 0 : index
      %get3A_70 = vector.load %arg3[%get3A_68, %get3A_69] : memref<1x64xf32, #tpu.memory_space<vmem>>, vector<1x64xf32>
      %add3A = vector.broadcast %get3A_70 : vector<1x64xf32> to vector<1024x64xf32>
      %add3A_71 = arith.addf %dot_general3A_67, %add3A : vector<1024x64xf32>
      %integer_pow3A = arith.mulf %add3A_71, %add3A_71 : vector<1024x64xf32>
      %integer_pow3A_72 = arith.mulf %add3A_71, %integer_pow3A : vector<1024x64xf32>
      %mul3A_73 = arith.constant 4.471500e-02 : f32
      %mul3A_74 = vector.broadcast %mul3A_73 : f32 to vector<1024x64xf32>
      %mul3A_75 = arith.mulf %mul3A_74, %integer_pow3A_72 : vector<1024x64xf32>
      %add3A_76 = arith.addf %add3A_71, %mul3A_75 : vector<1024x64xf32>
      %mul3A_77 = arith.constant 0.797884583 : f32
      %mul3A_78 = vector.broadcast %mul3A_77 : f32 to vector<1024x64xf32>
      %mul3A_79 = arith.mulf %mul3A_78, %add3A_76 : vector<1024x64xf32>
      %tanh3A = math.tanh %mul3A_79 : vector<1024x64xf32>
      %add3A_80 = arith.constant 1.000000e+00 : f32
      %add3A_81 = vector.broadcast %add3A_80 : f32 to vector<1024x64xf32>
      %add3A_82 = arith.addf %add3A_81, %tanh3A : vector<1024x64xf32>
      %mul3A_83 = arith.constant 5.000000e-01 : f32
      %mul3A_84 = vector.broadcast %mul3A_83 : f32 to vector<1024x64xf32>
      %mul3A_85 = arith.mulf %mul3A_84, %add3A_82 : vector<1024x64xf32>
      %mul3A_86 = arith.mulf %add3A_71, %mul3A_85 : vector<1024x64xf32>
      %mul3A_87 = arith.constant -2.000000e+00 : f32
      %mul3A_88 = vector.broadcast %mul3A_87 : f32 to vector<1024x64xf32>
      %mul3A_89 = arith.mulf %mul3A_86, %mul3A_88 : vector<1024x64xf32>
      %swap3A_90 = arith.constant 0 : index
      %swap3A_91 = arith.constant 0 : index
      %swap3A_92 = vector.load %arg8[%swap3A_90, %swap3A_91] : memref<1024x65xf32, #tpu.memory_space<vmem>>, vector<1024x64xf32>
      tpu.vector_store %arg8[%swap3A_90, %swap3A_91], %mul3A_89 {strides = array<i32>} : memref<1024x65xf32, #tpu.memory_space<vmem>>, vector<1024x64xf32>,
      %broadcast_in_dim3A_93 = arith.constant 1.000000e+00 : f32
      %broadcast_in_dim3A_94 = vector.broadcast %broadcast_in_dim3A_93 : f32 to vector<1024x1xf32>
      %swap3A_95 = arith.constant 0 : index
      %swap3A_96 = arith.constant 64 : index
      %swap3A_97 = vector.load %arg8[%swap3A_95, %swap3A_96] : memref<1024x65xf32, #tpu.memory_space<vmem>>, vector<1024x1xf32>
      tpu.vector_store %arg8[%swap3A_95, %swap3A_96], %broadcast_in_dim3A_94 {strides = array<i32>} : memref<1024x65xf32, #tpu.memory_space<vmem>>, vector<1024x1xf32>,
      %mul3A_98 = arith.mulf %mul3A_86, %mul3A_86 : vector<1024x64xf32>
      %reduce_sum3A_99 = arith.constant dense<0.000000e+00> : vector<1024xf32>
      %reduce_sum3A_100 = vector.multi_reduction <add>, %mul3A_98, %reduce_sum3A_99 [1] : vector<1024x64xf32> to vector<1024xf32>
      %broadcast_in_dim3A_101 = vector.shape_cast %reduce_sum3A_100 : vector<1024xf32> to vector<1024x1xf32>
      %swap3A_102 = arith.constant 0 : index
      %swap3A_103 = arith.constant 0 : index
      %swap3A_104 = vector.load %arg9[%swap3A_102, %swap3A_103] : memref<1024x1xf32, #tpu.memory_space<vmem>>, vector<1024x1xf32>
      tpu.vector_store %arg9[%swap3A_102, %swap3A_103], %broadcast_in_dim3A_101 {strides = array<i32>} : memref<1024x1xf32, #tpu.memory_space<vmem>>, vector<1024x1xf32>,
    } else {
    }
    %get3A = arith.constant 0 : index
    %get3A_2 = arith.constant 0 : index
    %get3A_3 = vector.load %arg5[%get3A, %get3A_2] : memref<64x4096xf32, #tpu.memory_space<vmem>>, vector<64x4096xf32>
    %mul3A = arith.constant 4096 : i32
    %mul3A_4 = arith.muli %arg0, %mul3A : i32
    %sub3A = arith.constant 100000 : i32
    %sub3A_5 = arith.subi %sub3A, %mul3A_4 : i32
    %iota3A = tpu.iota {dimensions = array<i32: 1>} : vector<64x4096xi32>
    %lt3A = vector.broadcast %sub3A_5 : i32 to vector<64x4096xi32>
    %lt3A_6 = arith.cmpi slt, %iota3A, %lt3A : vector<64x4096xi32>
    %jit3A = arith.constant 0.000000e+00 : f32
    %broadcast_in_dim3A = vector.broadcast %jit3A : f32 to vector<64x4096xf32>
    %select_n3A = arith.select %lt3A_6, %get3A_3, %broadcast_in_dim3A : vector<64x4096xi1>, vector<64x4096xf32>
    %iota3A_7 = tpu.iota {dimensions = array<i32: 1>} : vector<1x4096xi32>
    %lt3A_8 = vector.broadcast %sub3A_5 : i32 to vector<1x4096xi32>
    %lt3A_9 = arith.cmpi slt, %iota3A_7, %lt3A_8 : vector<1x4096xi32>
    %mul3A_10 = arith.mulf %select_n3A, %select_n3A : vector<64x4096xf32>
    %reduce_sum3A = arith.constant dense<0.000000e+00> : vector<4096xf32>
    %reduce_sum3A_11 = vector.multi_reduction <add>, %mul3A_10, %reduce_sum3A [0] : vector<64x4096xf32> to vector<4096xf32>
    %broadcast_in_dim3A_12 = vector.shape_cast %reduce_sum3A_11 : vector<4096xf32> to vector<1x4096xf32>
    %jit3A_13 = arith.constant 1.000000e+09 : f32
    %broadcast_in_dim3A_14 = vector.broadcast %jit3A_13 : f32 to vector<1x4096xf32>
    %select_n3A_15 = arith.select %lt3A_9, %broadcast_in_dim3A_12, %broadcast_in_dim3A_14 : vector<1x4096xi1>, vector<1x4096xf32>
    %concatenate3A = tpu.concatenate %select_n3A, %select_n3A_15 in 0 : vector<64x4096xf32>, vector<1x4096xf32> -> vector<65x4096xf32>
    %get3A_16 = arith.constant 0 : index
    %get3A_17 = arith.constant 0 : index
    %get3A_18 = vector.load %arg8[%get3A_16, %get3A_17] : memref<1024x65xf32, #tpu.memory_space<vmem>>, vector<1024x65xf32>
    %dot_general3A = arith.constant dense<0.000000e+00> : vector<1024x4096xf32>
    %dot_general3A_19 = tpu.matmul %get3A_18, %concatenate3A, %dot_general3A {dimension_numbers = #tpu.dot_dimension_numbers<[1], [0], [0], [1], [0, 0, 1, 1], [], []>, transpose_lhs_hint = false} : vector<1024x65xf32>, vector<65x4096xf32>, vector<1024x4096xf32> -> vector<1024x4096xf32>
    %bitcast_convert_type3A = tpu.bitcast %dot_general3A_19 : vector<1024x4096xf32> -> vector<1024x4096xi32>
    %and3A = arith.constant -4096 : i32
    %and3A_20 = vector.broadcast %and3A : i32 to vector<1024x4096xi32>
    %and3A_21 = arith.andi %bitcast_convert_type3A, %and3A_20 : vector<1024x4096xi32>
    %get3A_22 = arith.constant 0 : index
    %get3A_23 = arith.constant 0 : index
    %get3A_24 = vector.load %arg4[%get3A_22, %get3A_23] : memref<1x4096xi32, #tpu.memory_space<vmem>>, vector<1x4096xi32>
    %or3A = vector.broadcast %get3A_24 : vector<1x4096xi32> to vector<1024x4096xi32>
    %or3A_25 = arith.ori %and3A_21, %or3A : vector<1024x4096xi32>
    %bitcast_convert_type3A_26 = tpu.bitcast %or3A_25 : vector<1024x4096xi32> -> vector<1024x4096xf32>
    %reduce_min3A = arith.constant dense<0x7F800000> : vector<1024xf32>
    %reduce_min3A_27 = vector.multi_reduction <minimumf>, %bitcast_convert_type3A_26, %reduce_min3A [1] : vector<1024x4096xf32> to vector<1024xf32>
    %broadcast_in_dim3A_28 = vector.shape_cast %reduce_min3A_27 : vector<1024xf32> to vector<1024x1xf32>
    %eq3A_29 = arith.constant 0 : i32
    %eq3A_30 = arith.cmpi eq, %arg0, %eq3A_29 : i32
    %get3A_31 = arith.constant 0 : index
    %get3A_32 = arith.constant 0 : index
    %get3A_33 = vector.load %arg10[%get3A_31, %get3A_32] : memref<1024x1xf32, #tpu.memory_space<vmem>>, vector<1024x1xf32>
    %jit3A_34 = arith.constant 0x7F800000 : f32
    %broadcast_in_dim3A_35 = vector.broadcast %jit3A_34 : f32 to vector<1024x1xf32>
    %select_n3A_36 = arith.select %eq3A_30, %broadcast_in_dim3A_35, %get3A_33 : vector<1024x1xf32>
    %eq3A_37 = arith.constant 0 : i32
    %eq3A_38 = arith.cmpi eq, %arg0, %eq3A_37 : i32
    %get3A_39 = arith.constant 0 : index
    %get3A_40 = arith.constant 0 : index
    %get3A_41 = vector.load %arg11[%get3A_39, %get3A_40] : memref<1024x1xf32, #tpu.memory_space<vmem>>, vector<1024x1xf32>
    %jit3A_42 = arith.constant 0.000000e+00 : f32
    %broadcast_in_dim3A_43 = vector.broadcast %jit3A_42 : f32 to vector<1024x1xf32>
    %select_n3A_44 = arith.select %eq3A_38, %broadcast_in_dim3A_43, %get3A_41 : vector<1024x1xf32>
    %lt3A_45 = arith.cmpf olt, %broadcast_in_dim3A_28, %select_n3A_36 : vector<1024x1xf32>
    %select_n3A_46 = arith.select %lt3A_45, %broadcast_in_dim3A_28, %select_n3A_36 : vector<1024x1xi1>, vector<1024x1xf32>
    %swap3A = arith.constant 0 : index
    %swap3A_47 = arith.constant 0 : index
    %swap3A_48 = vector.load %arg10[%swap3A, %swap3A_47] : memref<1024x1xf32, #tpu.memory_space<vmem>>, vector<1024x1xf32>
    tpu.vector_store %arg10[%swap3A, %swap3A_47], %select_n3A_46 {strides = array<i32>} : memref<1024x1xf32, #tpu.memory_space<vmem>>, vector<1024x1xf32>,
    %convert_element_type3A_49 = arith.sitofp %arg0 : i32 to f32
    %broadcast_in_dim3A_50 = vector.broadcast %convert_element_type3A_49 : f32 to vector<1024x1xf32>
    %select_n3A_51 = arith.select %lt3A_45, %broadcast_in_dim3A_50, %select_n3A_44 : vector<1024x1xi1>, vector<1024x1xf32>
    %swap3A_52 = arith.constant 0 : index
    %swap3A_53 = arith.constant 0 : index
    %swap3A_54 = vector.load %arg11[%swap3A_52, %swap3A_53] : memref<1024x1xf32, #tpu.memory_space<vmem>>, vector<1024x1xf32>
    tpu.vector_store %arg11[%swap3A_52, %swap3A_53], %select_n3A_51 {strides = array<i32>} : memref<1024x1xf32, #tpu.memory_space<vmem>>, vector<1024x1xf32>,
    %eq3A_55 = arith.constant 24 : i32
    %eq3A_56 = arith.cmpi eq, %arg0, %eq3A_55 : i32
    %convert_element_type3A_57 = arith.extui %eq3A_56 : i1 to i32
    %cond3A_58 = arith.constant 0 : i32
    %cond3A_59 = arith.cmpi ne, %convert_element_type3A_57, %cond3A_58 : i32
    scf.if %cond3A_59 {
      %get3A_60 = arith.constant 0 : index
      %get3A_61 = arith.constant 0 : index
      %get3A_62 = vector.load %arg10[%get3A_60, %get3A_61] : memref<1024x1xf32, #tpu.memory_space<vmem>>, vector<1024x1xf32>
      %bitcast_convert_type3A_63 = tpu.bitcast %get3A_62 : vector<1024x1xf32> -> vector<1024x1xi32>
      %and3A_64 = arith.constant 4095 : i32
      %and3A_65 = vector.broadcast %and3A_64 : i32 to vector<1024x1xi32>
      %and3A_66 = arith.andi %bitcast_convert_type3A_63, %and3A_65 : vector<1024x1xi32>
      %convert_element_type3A_67 = arith.sitofp %and3A_66 : vector<1024x1xi32> to vector<1024x1xf32>
      %get3A_68 = arith.constant 0 : index
      %get3A_69 = arith.constant 0 : index
      %get3A_70 = vector.load %arg11[%get3A_68, %get3A_69] : memref<1024x1xf32, #tpu.memory_space<vmem>>, vector<1024x1xf32>
      %mul3A_71 = arith.constant 4.096000e+03 : f32
      %mul3A_72 = vector.broadcast %mul3A_71 : f32 to vector<1024x1xf32>
      %mul3A_73 = arith.mulf %get3A_70, %mul3A_72 : vector<1024x1xf32>
      %add3A = arith.addf %mul3A_73, %convert_element_type3A_67 : vector<1024x1xf32>
      %convert_element_type3A_74 = arith.fptosi %add3A : vector<1024x1xf32> to vector<1024x1xi32>
      %swap3A_75 = arith.constant 0 : index
      %swap3A_76 = arith.constant 0 : index
      %swap3A_77 = vector.load %arg6[%swap3A_75, %swap3A_76] : memref<1024x1xi32, #tpu.memory_space<vmem>>, vector<1024x1xi32>
      tpu.vector_store %arg6[%swap3A_75, %swap3A_76], %convert_element_type3A_74 {strides = array<i32>} : memref<1024x1xi32, #tpu.memory_space<vmem>>, vector<1024x1xi32>,
      %get3A_78 = arith.constant 0 : index
      %get3A_79 = arith.constant 0 : index
      %get3A_80 = vector.load %arg9[%get3A_78, %get3A_79] : memref<1024x1xf32, #tpu.memory_space<vmem>>, vector<1024x1xf32>
      %and3A_81 = arith.constant -4096 : i32
      %and3A_82 = vector.broadcast %and3A_81 : i32 to vector<1024x1xi32>
      %and3A_83 = arith.andi %bitcast_convert_type3A_63, %and3A_82 : vector<1024x1xi32>
      %bitcast_convert_type3A_84 = tpu.bitcast %and3A_83 : vector<1024x1xi32> -> vector<1024x1xf32>
      %add3A_85 = arith.addf %get3A_80, %bitcast_convert_type3A_84 : vector<1024x1xf32>
      %swap3A_86 = arith.constant 0 : index
      %swap3A_87 = arith.constant 0 : index
      %swap3A_88 = vector.load %arg7[%swap3A_86, %swap3A_87] : memref<1024x1xf32, #tpu.memory_space<vmem>>, vector<1024x1xf32>
      tpu.vector_store %arg7[%swap3A_86, %swap3A_87], %add3A_85 {strides = array<i32>} : memref<1024x1xf32, #tpu.memory_space<vmem>>, vector<1024x1xf32>,
    } else {
    }
    return
  }
  func.func @transform_0(%arg0: i32) -> (i32, i32) {
    %c0_i32 = arith.constant 0 : i32
    %c0_i32_0 = arith.constant 0 : i32
    %c0_i32_1 = arith.constant 0 : i32
    return %c0_i32, %c0_i32_0 : i32, i32
  }
  func.func @transform_1(%arg0: i32) -> (i32, i32) {
    %c0_i32 = arith.constant 0 : i32
    %c0_i32_0 = arith.constant 0 : i32
    %c0_i32_1 = arith.constant 0 : i32
    return %c0_i32, %c0_i32_0 : i32, i32
  }
  func.func @transform_2(%arg0: i32) -> (i32, i32) {
    %c0_i32 = arith.constant 0 : i32
    %c0_i32_0 = arith.constant 0 : i32
    %c0_i32_1 = arith.constant 0 : i32
    return %c0_i32, %c0_i32_0 : i32, i32
  }
  func.func @transform_3(%arg0: i32) -> (i32, i32) {
    %c0_i32 = arith.constant 0 : i32
    %c0_i32_0 = arith.constant 0 : i32
    %c0_i32_1 = arith.constant 0 : i32
    return %c0_i32, %c0_i32_0 : i32, i32
  }
  func.func @transform_4(%arg0: i32) -> (i32, i32) {
    %c0_i32 = arith.constant 0 : i32
    %c0_i32_0 = arith.constant 0 : i32
    return %c0_i32, %arg0 : i32, i32
  }
  func.func @transform_5(%arg0: i32) -> (i32, i32) {
    %c0_i32 = arith.constant 0 : i32
    %c0_i32_0 = arith.constant 0 : i32
    %c0_i32_1 = arith.constant 0 : i32
    return %c0_i32, %c0_i32_0 : i32, i32
  }
  func.func @transform_6(%arg0: i32) -> (i32, i32) {
    %c0_i32 = arith.constant 0 : i32
    %c0_i32_0 = arith.constant 0 : i32
    %c0_i32_1 = arith.constant 0 : i32
    return %c0_i32, %c0_i32_0 : i32, i32
  }
}

</mosaic_0001>

<sc_bundles>
// kernel: kernel.4.cloned.1.call-start
scs
__scs_entry_jumppad:
0x0: {  	(pc) =	sbr.rel $0x88, $3  }
0x1: {  	(tag) =	ssettag $0x0;
	lr =	simm.s32 $0x1  }
0x2: {  	[smem:$0x3F9C] =	sst lr;
	_ =	strace $0xD0000000  }
0x3: {  	_ = 	snop  }
0x4: {  	_ = 	snop  }
0x5: {  	_ = 	snop  }
0x6: {  	_ = 	snop  }
0x7: {  	_ = 	snop  }
__scs_overlays_trampoline_lowered:
0x8: {  	[smem:$0x3FAB] =	sst s0  }
0x9: {  	[smem:$0x3FAC] =	sst s1  }
0xa: {  	[smem:$0x3FAD] =	sst s2  }
0xb: {  	[smem:$0x3FAE] =	sst s3  }
0xc: {  	[smem:$0x3FAF] =	sst s4  }
0xd: {  	[smem:$0x3FB0] =	sst s5  }
0xe: {  	[smem:$0x3FB1] =	sst s6  }
0xf: {  	[smem:$0x3FB2] =	sst s7  }
0x10: {  	[smem:$0x3FB3] =	sst s8  }
0x11: {  	[smem:$0x3FB4] =	sst s9;
	s0 =	simm.s32 @!p0 $0x0  }
0x12: {  	s1 =	sld [smem:$0x3F9A];
	s0 =	simm.s32 @p0 $0x1  }
0x13: {  	[smem:$0x3FB5] =	sst s0;
	s0 =	simm.s32 @!p1 $0x0  }
0x14: {  	s2 =	sld [smem:$0x3F99];
	s0 =	simm.s32 @p1 $0x1  }
0x15: {  	[smem:$0x3FB6] =	sst s0;
	s0 =	simm.s32 @!p2 $0x0  }
0x16: {  	s3 =	sld [smem:$0x3FDB];
	s0 =	simm.s32 @p2 $0x1  }
0x17: {  	s4 =	simm.s32 $0x1BF5;
	[smem:$0x3FB8] =	sst s0  }
0x18: {  	s0 =	sld [smem:$0x3F9B];
	_ =	swait.ge [sflag:s4], $0x0  }
0x19: {  	s7 =	sld [smem:$0x3F9C]  }
0x1a: {  	s8 =	sadd.s32 $0xFFFFE003, lr  }
0x1b: {  	s9 =	sadd.s32 $0xFFFFFEF7, lr;
	s5 =	simm.s32 $0xFFFFFFFF;
	p2 =	slt.u32 s8, $0xFFFFF086  }
0x1c: {  	p1 =	slt.u32 s9, $0xF7A;
	s5 =	simm.s32 @!p2 $0x0  }
0x1d: {  	s5 =	simm.s32 @p1 $0x1;
	p0 =	seq.s32 s7, s2  }
0x1e: {  	s7 =	smul.u32 @!p0 $0xF7A, s2;
	p2 =	seq.s32 @!p0 s5, $0x0  }
0x1f: {  	s9 =	smul.u32 $0xF7A, s1;
	s8 =	simm.s32 @!p0 $0x1BF5;
	p2 =	por !p2, p0  }
0x20: {  	[sflag:s8] =	ssyncset.s32 @!p0 $0xFFFFF086;
	s6 =	sadd.s32 @!p0 s3, s7;
	s7 =	simm.s32 @!p0 $0x108  }
0x21: {  	s3 =	sadd.s32 s3, s9;
	s6 =	sadd.s32 @!p0 $0x88, s6;
	s7 =	simm.s32 @p2 $0x1082  }
0x22: {  	[simem:s7], [sflag:s8] =	dma.local @!p0 [hbm:s6], $0xF7A  }
0x23: {  	s9 =	sor.u32 $0xD0000000, s2;
	s6 =	simm.s32 $0x108;
	_ =	swait.ge @!p0 [sflag:s8], $0x0  }
0x24: {  	s3 =	sadd.s32 $0x88, s3;
	s6 =	simm.s32 @!p1 $0x1082;
	[sflag:s4] =	ssyncset.s32 $0xFFFFF086  }
0x25: {  	[simem:s6], [sflag:s4] =	dma.local [hbm:s3], $0xF7A  }
0x26: {  	[smem:$0x3F9C] =	sst s1;
	(tag) =	ssettag s2;
	_ =	strace s9  }
0x27: {  	s1 =	sld [smem:$0x3FAC]  }
0x28: {  	s2 =	sld [smem:$0x3FAD]  }
0x29: {  	s4 =	sld [smem:$0x3FAF]  }
0x2a: {  	p0 =	seq.s32 s5, $0x0;
	s5 =	sld [smem:$0x3FB0]  }
0x2b: {  	s6 =	sld [smem:$0x3FB1]  }
0x2c: {  	s7 =	sld [smem:$0x3FB2]  }
0x2d: {  	s3 =	simm.s32 $0x108;
	s8 =	sld [smem:$0x3FB3]  }
0x2e: {  	s3 =	simm.s32 @!p0 $0x1082;
	s9 =	sld [smem:$0x3FB4]  }
0x2f: {  	lr =	sadd.s32 s0, s3;
	s0 =	sld [smem:$0x3FAB]  }
0x30: {  	s3 =	sld [smem:$0x3FAE]  }
0x31: {  	[smem:$0x3FB7] =	sst s10  }
0x32: {  	s10 =	sld [smem:$0x3FB5];
	_ =	sdelay $0x3  }
0x33: {  	p0 =	seq.s32 s10, $0x1;
	s10 =	sld [smem:$0x3FB7];
	_ =	sdelay $0x3  }
0x34: {  	[smem:$0x3FB7] =	sst s10  }
0x35: {  	s10 =	sld [smem:$0x3FB6];
	_ =	sdelay $0x3  }
0x36: {  	p1 =	seq.s32 s10, $0x1;
	s10 =	sld [smem:$0x3FB7];
	_ =	sdelay $0x3  }
0x37: {  	[smem:$0x3FB7] =	sst s10  }
0x38: {  	s10 =	sld [smem:$0x3FB8]  }
0x39: {  	_ = 	snop;
	(pc) =	sbr.ind lr, $3  }
0x3a: {  	_ = 	snop  }
0x3b: {  	_ = 	snop  }
0x3c: {  	p2 =	seq.s32 s10, $0x1;
	s10 =	sld [smem:$0x3FB7]  }
0x3d: {  	_ =	shalt  }
0x3e: {  	_ =	shalt  }
0x3f: {  	_ =	shalt  }
0x40: {  	_ =	shalt  }
0x41: {  	_ =	shalt  }
0x42: {  	_ =	shalt  }
0x43: {  	_ =	shalt  }
0x44: {  	_ =	shalt  }
0x45: {  	_ =	shalt  }
0x46: {  	_ =	shalt  }
0x47: {  	_ =	shalt  }
0x48: {  	_ =	shalt  }
0x49: {  	_ =	shalt  }
0x4a: {  	_ =	shalt  }
0x4b: {  	_ =	shalt  }
0x4c: {  	_ =	shalt  }
0x4d: {  	_ =	shalt  }
0x4e: {  	_ =	shalt  }
0x4f: {  	_ =	shalt  }
0x50: {  	_ =	shalt  }
0x51: {  	_ =	shalt  }
0x52: {  	_ =	shalt  }
0x53: {  	_ =	shalt  }
0x54: {  	_ =	shalt  }
0x55: {  	_ =	shalt  }
0x56: {  	_ =	shalt  }
0x57: {  	_ =	shalt  }
0x58: {  	_ =	shalt  }
0x59: {  	_ =	shalt  }
0x5a: {  	_ =	shalt  }
0x5b: {  	_ =	shalt  }
0x5c: {  	_ =	shalt  }
0x5d: {  	_ =	shalt  }
0x5e: {  	_ =	shalt  }
0x5f: {  	_ =	shalt  }
0x60: {  	_ =	shalt  }
0x61: {  	_ =	shalt  }
0x62: {  	_ =	shalt  }
0x63: {  	_ =	shalt  }
0x64: {  	_ =	shalt  }
0x65: {  	_ =	shalt  }
0x66: {  	_ =	shalt  }
0x67: {  	_ =	shalt  }
0x68: {  	_ =	shalt  }
0x69: {  	_ =	shalt  }
0x6a: {  	_ =	shalt  }
0x6b: {  	_ =	shalt  }
0x6c: {  	_ =	shalt  }
0x6d: {  	_ =	shalt  }
0x6e: {  	_ =	shalt  }
0x6f: {  	_ =	shalt  }
0x70: {  	_ =	shalt  }
0x71: {  	_ =	shalt  }
0x72: {  	_ =	shalt  }
0x73: {  	_ =	shalt  }
0x74: {  	_ =	shalt  }
0x75: {  	_ =	shalt  }
0x76: {  	_ =	shalt  }
0x77: {  	_ =	shalt  }
0x78: {  	_ =	shalt  }
0x79: {  	_ =	shalt  }
0x7a: {  	_ =	shalt  }
0x7b: {  	_ =	shalt  }
0x7c: {  	_ =	shalt  }
0x7d: {  	_ =	shalt  }
0x7e: {  	_ =	shalt  }
0x7f: {  	_ =	shalt  }
0x80: {  	_ =	shalt  }
0x81: {  	_ =	shalt  }
0x82: {  	_ =	shalt  }
0x83: {  	_ =	shalt  }
0x84: {  	_ =	shalt  }
0x85: {  	_ =	shalt  }
0x86: {  	_ =	shalt  }
0x87: {  	_ =	shalt  }
.Lfunc_end0:
.L_simem_size_0:
called_computation_lowered:
.L_overlay_start_0:
0x88: {  	s2 =	sld [smem:$0x3FD9]  }
0x89: {  	s3 =	sld [smem:$0x3FFE];
	_ =	sdelay $0x1  }
0x8a: {  	s1 =	srdreg.scid  }
0x8b: {  	s0 =	sand.u32 $0x1, s1  }
0x8c: {  	s17 =	sshll.u32 s0, $0xA;
	s2 =	sadd.s32 s3, s2  }
0x8d: {  	s2 =	sadd.s32 s2, s17  }
0x8e: {  	[smem:$0x3FC3] =	sst s2  }
0x8f: {  	_ = 	snop  }
0x90: {  	s2 =	sld [smem:$0x3FC7]  }
0x91: {  	s18 =	sld [smem:$0x3FD0];
	(tm) =	ssettm $0x1  }
0x92: {  	s4 =	sld [smem:$0x3FFB];
	_ =	sdelay $0x3  }
0x93: {  	_ =	strace s4  }
0x94: {  	s4 =	sld [smem:$0x3FFC];
	_ =	sdelay $0x3  }
0x95: {  	_ =	strace s4  }
0x96: {  	s4 =	sld [smem:$0x3FFD];
	_ =	sdelay $0x3  }
0x97: {  	_ =	strace s4  }
0x98: {  	_ =	strace $0x8FFFFFFF  }
0x99: {  	s19 =	sld [smem:$0x3FDB];
	_ =	sdelay $0x1  }
0x9a: {  	s5 =	simm.s32 $_scs_section_size  }
0x9b: {  	s6 =	simm.s32 $_size__tile_overlayer_lowered;
	s7 =	simm.s32 $_tile_overlayer_lowered  }
0x9c: {  	s22 =	simm.s32 $0x1BFF;
	s21 =	sshll.u32 s7, $0x1;
	s4 =	sadd.s32 s5, s19  }
0x9d: {  	s8 =	simm.s32 $0x0;
	s20 =	sshll.u32 s6, $0x1;
	s6 =	sadd.s32 s21, s4  }
0x9e: {  	[timem:s8], [sflag:s22] =	dma.local [hbm:s6], s20  }
0x9f: {  	_ =	swait.ge [sflag:s22], s20  }
0xa0: {  	s5 =	ssub.s32 $0x0, s20;
	[sflag:s22] =	ssyncset.done $0x0  }
0xa1: {  	[sflag:s22] =	ssyncadd.s32 s5;
	_ =	sdelay $0x1  }
0xa2: {  	s23 =	simm.s32 $0x1B8B  }
0xa3: {  	_ =	swait.ge [sflag:s23], $0x1  }
0xa4: {  	[sflag:s23] =	ssyncset.done $0x0  }
0xa5: {  	s25 =	simm.s32 $0x1B8E;
	s24 =	sld [smem:$0x3FFE];
	[sflag:s23] =	ssyncadd.s32 $0xFFFFFFFF  }
0xa6: {  	s26 =	simm.s32 $execute0_lowered;
	[smem:$0x3FD2] =	sst s25  }
0xa7: {  	s6 =	sshll.u32 s26, $0x1;
	_ =	strace $0x80000046;
	[dreg:$0x1] =	wrdreg $0xFFFFFFFF  }
0xa8: {  	s28 =	simm.s32 $_size_execute0_lowered;
	s4 =	sadd.s32 s4, s6;
	[dreg:$0x0] =	wrdreg $0x0  }
0xa9: {  	s6 =	sshll.u32 s28, $0x1;
	[dreg:$0x2] =	wrdreg s4  }
0xaa: {  	[dreg:$0x3] =	wrdreg s6  }
0xab: {  	[dreg:$0x4] =	wrdreg $0xC0  }
0xac: {  	_ =	task [dreg:s8], $0x5FFFF  }
0xad: {  	[dreg:$0x1] =	wrdreg $0xFFFFFFFF  }
0xae: {  	[dreg:$0x0] =	wrdreg $0x60  }
0xaf: {  	[dreg:$0x2] =	wrdreg s2  }
0xb0: {  	[dreg:$0x3] =	wrdreg s24  }
0xb1: {  	[dreg:$0x4] =	wrdreg s18  }
0xb2: {  	[dreg:$0x5] =	wrdreg $0x9  }
0xb3: {  	_ =	task.clear_ibuf [dreg:s8], $0x6FFFF;
	_ =	strace $0x90000046  }
0xb4: {  	s29 =	simm.s32 $0x9;
	_ =	strace $0x80000048  }
0xb5: {  	_ =	swait.ge [sflag:s29], $0x1  }
0xb6: {  	[sflag:s29] =	ssyncadd.s32 $0xFFFFFFFF  }
0xb7: {  	_ =	strace $0x90000048  }
0xb8: {  	_ =	sfence  }
0xb9: {  	s30 =	sld [smem:$0x0];
	_ =	sdelay $0x2  }
0xba: {  	s31 =	sshll.u32 s1, $0xD;
	s1 =	sshrl.u32 s1, $0x2  }
0xbb: {  	s3 =	sand.u32 $0x4000, s31;
	s1 =	sadd.s32 s1, s30  }
0xbc: {  	s0 =	sor.u32 s3, s0;
	s1 =	sshll.u32 s1, $0x11  }
0xbd: {  	s0 =	sor.u32 s1, s0  }
0xbe: {  	s0 =	sadd.s32 $0x8F2B, s0  }
0xbf: {  	[sflag:s0] =	ssyncadd.remote.s32 $0x1  }
0xc0: {  	_ =	sfence.sel $0xFFFF  }
0xc1: {  	[dreg:$0x0] =	wrdreg $0xFFFFFFFF;
	(pc) =	sbr.abs _section_cstart, $3  }
0xc2: {  	[dreg:$0x1] =	wrdreg $0xFFFFFFFF  }
0xc3: {  	_ =	task.clear_ibuf [dreg:s8], $0x2FFFF;
	_ =	strace $0x9FFFFFFF  }
0xc4: {  	(tm) =	ssettm $0x7FFFFFFF  }
0xc5: {  	_ =	shalt  }
tec
execute0_lowered:
.L_overlay_start_1:
0x0: {  	(tag) =	ssettag $0x1  }
0x1: {  	s2 =	rddreg [dreg:$0x0]  }
0x2: {  	s4 =	rddreg [dreg:$0x1];
	s3 =	srdreg.scid  }
0x3: {  	s11 =	rddreg [dreg:$0x2];
	s1 =	stileid.u32;
	s12 =	sand.u32 $0x1, s3  }
0x4: {  	s3 =	simm.s32 $0x0;
	s5 =	sshll.u32 s1, $0x3;
	s6 =	sshll.u32 s12, $0x2  }
0x5: {  	[smem:$0x7FF] =	sst s3;
	s13 =	sor.u32 s6, s5  }
0x6: {  	s0 =	rddreg [dreg:$0x3];
	_ =	strace $0x80000047;
	s4 =	sadd.s32 s4, s13  }
0x7: {  	[tilespmem:s3], [sflag:$0x1] =	stream.linear.gather [hbm4b:s4+s3], $0x20, $0x38;
	[tilespmem:$0x200] =	vst v63  }
0x8: {  	s7 =	simm.s32 $0x1;
	s6 =	simm.s32 $0x80;
	s5 =	sadd.s32 $0x200, s4  }
0x9: {  	[tilespmem:s6], [sflag:$0x2] =	stream.linear.gather [hbm4b:s5+s3], $0x20, $0x38;
	[tilespmem:$0x200] =	vst v63  }
0xa: {  	_ =	swait.ge [sflag:s7], $0x20  }
0xb: {  	[sflag:s7] =	ssyncset.done $0x0  }
0xc: {  	s8 =	simm.s32 $0x20;
	s9 =	simm.s32 $0x100;
	[sflag:s7] =	ssyncadd.s32 $0xFFFFFFE0  }
0xd: {  	[tilespmem:s9], [sflag:$0x1] =	stream.indirect.gather [hbm4b:s2+s8], $0x1, s3, s8, $0xb8;
	[tilespmem:$0x200] =	vst v63  }
0xe: {  	_ =	swait.ge [sflag:s7], $0x20  }
0xf: {  	[sflag:s7] =	ssyncset.done $0x0  }
0x10: {  	s10 =	simm.s32 $0x2;
	[sflag:s7] =	ssyncadd.s32 $0xFFFFFFE0  }
0x11: {  	_ =	swait.ge [sflag:s10], $0x20  }
0x12: {  	[sflag:s10] =	ssyncset.done $0x0  }
0x13: {  	[sflag:s10] =	ssyncadd.s32 $0xFFFFFFE0  }
0x14: {  	s12 =	ssub.s32 $0x2, s12;
	v0 =	vld [tilespmem:$0x100]  }
0x15: {  	s14 =	sshrl.u32 s12, $0x1;
	v1 =	vld [tilespmem:$0x80]  }
0x16: {  	s12 =	ssub.s32 s12, s14;
	v2 =	vld [tilespmem:$0x90]  }
0x17: {  	s14 =	smax.u32 s12, $0x1;
	v3 =	vld [tilespmem:$0x110]  }
0x18: {  	p0 =	sne.s32 s14, $0x1  }
.Ltmp0:
0x19: {  	_ = 	snop;
	(pc) =	sbr.rel @!p0 .LBB2_2-.Ltmp0, $4  }
0x1a: {  	vm0 =	vle.f32 v1, $8.100000020e-01  }
0x1b: {  	vm15 =	vle.f32 v2, $8.100000020e-01;
	v0 =	vnsel vm0, $0x0, v0  }
0x1c: {  	s11 =	sadd.s32 s11, s13;
	v63 =	vnsel vm15, $0x0, v3;
	[tilespmem:$0x180] =	vst v0  }
0x1d: {  	s13 =	simm.s32 $0x180;
	s12 =	simm.s32 $0x3;
	s14 =	sadd.s32 $0xFFFFFFFF, s14;
	[tilespmem:$0x190] =	vst v63  }
.LBB2_1:
0x1e: {  	[hbm4b:s11+s3] =	stream.linear.scatter [tilespmem:s13], [sflag:$0x3], $0x20, $0x38;
	[tilespmem:$0x200] =	vst v63  }
0x1f: {  	p0 =	sne.s32 s14, $0x1;
	s14 =	sadd.s32 $0xFFFFFFFF, s14;
	_ =	swait.ge [sflag:s12], $0x20  }
0x20: {  	[sflag:s12] =	ssyncset.done $0x0  }
0x21: {  	[sflag:s12] =	ssyncadd.s32 $0xFFFFFFE0  }
0x22: {  	[tilespmem:s3], [sflag:$0x1] =	stream.linear.gather [hbm4b:s4+s3], $0x20, $0x38;
	[tilespmem:$0x200] =	vst v63  }
0x23: {  	_ = 	snop  }
0x24: {  	[tilespmem:s6], [sflag:$0x2] =	stream.linear.gather [hbm4b:s5+s3], $0x20, $0x38;
	[tilespmem:$0x200] =	vst v63  }
0x25: {  	_ =	swait.ge [sflag:s7], $0x20  }
0x26: {  	[sflag:s7] =	ssyncset.done $0x0  }
0x27: {  	[sflag:s7] =	ssyncadd.s32 $0xFFFFFFE0  }
0x28: {  	[tilespmem:s9], [sflag:$0x1] =	stream.indirect.gather [hbm4b:s2+s8], $0x1, s3, s8, $0xb8;
	[tilespmem:$0x200] =	vst v63  }
0x29: {  	_ =	swait.ge [sflag:s7], $0x20  }
0x2a: {  	[sflag:s7] =	ssyncset.done $0x0  }
0x2b: {  	[sflag:s7] =	ssyncadd.s32 $0xFFFFFFE0  }
0x2c: {  	_ =	swait.ge [sflag:s10], $0x20  }
0x2d: {  	[sflag:s10] =	ssyncset.done $0x0  }
0x2e: {  	[sflag:s10] =	ssyncadd.s32 $0xFFFFFFE0  }
0x2f: {  	v0 =	vld [tilespmem:$0x100]  }
0x30: {  	v1 =	vld [tilespmem:$0x80]  }
0x31: {  	v2 =	vld [tilespmem:$0x90]  }
0x32: {  	v3 =	vld [tilespmem:$0x110];
	_ =	sdelay $0x1  }
.Ltmp1:
0x33: {  	(pc) =	sbr.rel @p0 .LBB2_1-.Ltmp1, $4  }
0x34: {  	vm0 =	vle.f32 v1, $8.100000020e-01  }
0x35: {  	v0 =	vnsel vm0, $0x0, v0;
	vm0 =	vle.f32 v2, $8.100000020e-01  }
0x36: {  	[tilespmem:$0x180] =	vst v0;
	v0 =	vnsel vm0, $0x0, v3  }
0x37: {  	[tilespmem:$0x190] =	vst v0  }
.LBB2_2:
0x38: {  	[hbm4b:s11+s3] =	stream.linear.scatter [tilespmem:s13], [sflag:$0x3], $0x20, $0x38;
	[tilespmem:$0x200] =	vst v63  }
0x39: {  	_ =	swait.ge [sflag:s12], $0x20  }
0x3a: {  	[sflag:s12] =	ssyncset.done $0x0  }
0x3b: {  	[sflag:s12] =	ssyncadd.s32 $0xFFFFFFE0  }
0x3c: {  	_ =	sfence.sel $0x180000  }
0x3d: {  	[bflag:$0x0] =	sbarrier.arrive $0xFFFF  }
0x3e: {  	p0 =	sne.s32 s1, $0x0;
	_ =	strace $0x90000047  }
0x3f: {  	s0 =	sadd.s32 @!p0 $0x100000, s0;
	[bflag:$0x2] =	sbarrier.arrive $0xFFFF  }
0x40: {  	[sflag:s0] =	ssyncadd.tile.s32 @!p0 $0x1;
	_ =	shalt  }
.Lfunc_end2:
_tile_overlayer_lowered:
.L_overlay_start_2:
0x41: {  	(tag) =	ssettag $0x2  }
0x42: {  	s0 =	rddreg [dreg:$0x0];
	s2 =	stileid.u32  }
0x43: {  	s1 =	rddreg [dreg:$0x1];
	p0 =	sne.s32 s2, $0x0  }
0x44: {  	s3 =	rddreg [dreg:$0x2];
	[bflag:$0x3] =	sbarrier.arrive $0xFFFF;
	s2 =	simm.s32 @!p0 $0x1C03  }
0x45: {  	[timem:s3], [sflag:s2] =	dma.local @!p0 [hbm:s0], s1  }
0x46: {  	s0 =	simm.s32 @!p0 $0x3  }
0x47: {  	_ =	swait.ge @!p0 [sflag:s0], s1  }
0x48: {  	s1 =	ssub.s32 @!p0 $0x0, s1;
	[sflag:s0] =	ssyncset.done @!p0 $0x0  }
0x49: {  	[sflag:s0] =	ssyncadd.s32 @!p0 s1  }
0x4a: {  	[bflag:$0x3] =	sbarrier.arrive $0xFFFF  }
0x4b: {  	_ =	shalt  }

</sc_bundles>
